<compile_context>
chip_gen: v7x
topology: tpu7x:2x2x1
jax: 0.10.2.dev20260603
libtpu: 0.0.44.dev20260713+nightly
codegen_flags: <defaults>
</compile_context>

<pallas_src>
import functools

import jax
import jax.numpy as jnp
from jax import lax
from jax.experimental import pallas as pl
from jax.experimental.pallas import tpu as pltpu
from jax.experimental.pallas import tpu_sc as plsc

B_SZ = 1024
SEQ = 512
D = 128
T = B_SZ * SEQ
NC, NS, L = 2, 16, 16
NW = NC * NS
TPW = T // NW
C = 128
N_CHUNKS = TPW // C


def _body(seq_hbm, pos_hbm, seg_hbm, tok_tab, pos_tab, seg_tab, out_hbm,
          idx_t, idx_p, idx_s, buf_t, buf_p, buf_s, sem_t, sem_p, sem_s):
    wid = lax.axis_index("s") * NC + lax.axis_index("c")
    w_base = pl.multiple_of(wid * TPW, C)

    def chunk(c, _):
        base = pl.multiple_of(w_base + c * C, C)
        pltpu.sync_copy(seq_hbm.at[pl.ds(base, C)], idx_t)
        pltpu.sync_copy(pos_hbm.at[pl.ds(base, C)], idx_p)
        pltpu.sync_copy(seg_hbm.at[pl.ds(base, C)], idx_s)
        cp_t = pltpu.async_copy(tok_tab.at[idx_t], buf_t, sem_t)
        cp_p = pltpu.async_copy(pos_tab.at[idx_p], buf_p, sem_p)
        cp_s = pltpu.async_copy(seg_tab.at[idx_s], buf_s, sem_s)
        cp_t.wait()
        cp_p.wait()
        cp_s.wait()

        def row(r, _):
            for g in range(D // L):
                sl = pl.ds(g * L, L)
                buf_t[r, sl] = buf_t[r, sl] + buf_p[r, sl] + buf_s[r, sl]
            return 0

        lax.fori_loop(0, C, row, 0, unroll=False)
        pltpu.sync_copy(buf_t, out_hbm.at[pl.ds(base, C)])
        return 0

    lax.fori_loop(0, N_CHUNKS, chunk, 0, unroll=False)


@jax.jit
def _embed(seq, pos, seg, tok_tab, pos_tab, seg_tab):
    mesh = plsc.VectorSubcoreMesh(core_axis_name="c", subcore_axis_name="s",
                                  num_cores=NC, num_subcores=NS)
    k = pl.kernel(
        _body,
        out_type=jax.ShapeDtypeStruct((T, D), jnp.float32),
        mesh=mesh,
        scratch_types=[
            pltpu.VMEM((C,), jnp.int32),
            pltpu.VMEM((C,), jnp.int32),
            pltpu.VMEM((C,), jnp.int32),
            pltpu.VMEM((C, D), jnp.float32),
            pltpu.VMEM((C, D), jnp.float32),
            pltpu.VMEM((C, D), jnp.float32),
            pltpu.SemaphoreType.DMA,
            pltpu.SemaphoreType.DMA,
            pltpu.SemaphoreType.DMA,
        ],
    )
    return k(seq, pos, seg, tok_tab, pos_tab, seg_tab)


def kernel(sequence, postion_label, segment_label, token_table,
           position_table, segment_table):
    seq = sequence.reshape(T).astype(jnp.int32)
    pos = postion_label.reshape(T).astype(jnp.int32)
    seg = segment_label.reshape(T).astype(jnp.int32)
    out = _embed(seq, pos, seg, token_table, position_table, segment_table)
    return out.reshape(B_SZ, SEQ, D)

# --- scband reference (transcript-rebuilt; emitter-appended) ---
"""Pipeline reference for scband-bertembedding-13958643712200 (READ-ONLY COPY).

The authoritative reference and input builder live on the scoring server;
editing this copy changes nothing except your own understanding.
"""

import jax, jax.numpy as jnp
import numpy as np

VOCAB = 100000
EMBED = 128
B_SZ = 1024
SEQ = 512


def setup_inputs(seed: int = 0) -> dict:
    key = jax.random.key(seed)
    ks = jax.random.split(key, 6)
    sequence = jax.random.randint(ks[0], (B_SZ, SEQ), 0, VOCAB, dtype=jnp.int64) if jax.config.read('jax_enable_x64') else jax.random.randint(ks[0], (B_SZ, SEQ), 0, VOCAB, dtype=jnp.int32)
    postion_label = jax.random.randint(ks[1], (B_SZ, SEQ), 0, 512, dtype=sequence.dtype)
    segment_label = jax.random.randint(ks[2], (B_SZ, SEQ), 0, 3, dtype=sequence.dtype)
    token_table = jax.random.normal(ks[3], (VOCAB, EMBED), dtype=jnp.float32) * 0.02
    position_table = jax.random.normal(ks[4], (512, EMBED), dtype=jnp.float32) * 0.02
    segment_table = jax.random.normal(ks[5], (3, EMBED), dtype=jnp.float32) * 0.02
    return {
        'sequence': sequence,
        'postion_label': postion_label,
        'segment_label': segment_label,
        'token_table': token_table,
        'position_table': position_table,
        'segment_table': segment_table,
    }


def reference(sequence, postion_label, segment_label, token_table, position_table, segment_table):
    # BERTEmbedding.forward: token(seq) + position(pos) + segment(seg), dropout in eval mode (identity)
    x = jnp.take(token_table, sequence, axis=0)
    p = jnp.take(position_table, postion_label, axis=0)
    s = jnp.take(segment_table, segment_label, axis=0)
    out = x + p + s
    return out

if __name__ == "__main__":
    import jax
    _d = setup_inputs()
    print(jax.jit(kernel)(*tuple(_d.values())))

</pallas_src>

<mosaic_0001>
#map = affine_map<(d0, d1) -> (0)>
#map1 = affine_map<(d0, d1) -> (0, 0)>
module attributes {stable_mosaic.version = 14 : i64} {
  func.func @_body(%arg0: i32, %arg1: i32, %arg2: memref<524288xi32, #tpu.memory_space<hbm>>, %arg3: memref<524288xi32, #tpu.memory_space<hbm>>, %arg4: memref<524288xi32, #tpu.memory_space<hbm>>, %arg5: memref<100000x128xf32, #tpu.memory_space<hbm>>, %arg6: memref<512x128xf32, #tpu.memory_space<hbm>>, %arg7: memref<3x128xf32, #tpu.memory_space<hbm>>, %arg8: memref<524288x128xf32, #tpu.memory_space<hbm>>, %arg9: memref<128xi32, #tpu.memory_space<vmem>>, %arg10: memref<128xi32, #tpu.memory_space<vmem>>, %arg11: memref<128xi32, #tpu.memory_space<vmem>>, %arg12: memref<128x128xf32, #tpu.memory_space<vmem>>, %arg13: memref<128x128xf32, #tpu.memory_space<vmem>>, %arg14: memref<128x128xf32, #tpu.memory_space<vmem>>, %arg15: memref<!tpu.dma_semaphore, #tpu.memory_space<semaphore_mem>>, %arg16: memref<!tpu.dma_semaphore, #tpu.memory_space<semaphore_mem>>, %arg17: memref<!tpu.dma_semaphore, #tpu.memory_space<semaphore_mem>>) attributes {dimension_semantics = [#tpu.dimension_semantics<core_parallel>, #tpu.dimension_semantics<subcore_parallel>], iteration_bounds = array<i64: 2, 16>, scalar_prefetch = 0 : i64, scratch_operands = 9 : i64, tpu.core_type = #tpu.core_type<sc_vector_subcore>, window_params = [{transform_indices = #map}, {transform_indices = #map}, {transform_indices = #map}, {transform_indices = #map1}, {transform_indices = #map1}, {transform_indices = #map1}, {transform_indices = #map1}]} {
    %mul3A = arith.constant 2 : i32
    %mul3A_0 = arith.muli %arg1, %mul3A : i32
    %add3A = arith.addi %mul3A_0, %arg0 : i32
    %mul3A_1 = arith.constant 16384 : i32
    %mul3A_2 = arith.muli %add3A, %mul3A_1 : i32
    %multiple_of3A = tpu.assume_multiple %mul3A_2, 128 : i32
    %scan3A = arith.constant 0 : i32
    %scan3A_3 = arith.constant 0 : i32
    %scan3A_4 = arith.constant 128 : i32
    %scan3A_5 = arith.addi %scan3A_3, %scan3A_4 : i32
    %scan3A_6 = arith.constant 1 : i32
    %scan3A_7 = scf.for %scan3A_9 = %scan3A_3 to %scan3A_5 step %scan3A_6 iter_args(%scan3A_10 = %scan3A) -> (i32)  : i32 {
      %mul3A_11 = arith.constant 128 : i32
      %mul3A_12 = arith.muli %scan3A_9, %mul3A_11 : i32
      %add3A_13 = arith.addi %multiple_of3A, %mul3A_12 : i32
      %multiple_of3A_14 = tpu.assume_multiple %add3A_13, 128 : i32
      "tpu.region"() ({
        %run_scoped3A = tpu.sem_alloc : memref<!tpu.dma_semaphore, #tpu.memory_space<semaphore_mem>>
        %dma_start3A_39 = tpu.memref_slice %arg2[%multiple_of3A_14] : memref<524288xi32, #tpu.memory_space<hbm>> -> memref<128xi32, #tpu.memory_space<hbm>>
        %dma_start3A_40 = tpu.memref_slice %arg2[%multiple_of3A_14] : memref<524288xi32, #tpu.memory_space<hbm>> -> memref<128xi32, #tpu.memory_space<hbm>>
        tpu.enqueue_dma source(%dma_start3A_40 : memref<128xi32, #tpu.memory_space<hbm>>) target(%arg9 : memref<128xi32, #tpu.memory_space<vmem>>) target_semaphore(%run_scoped3A : memref<!tpu.dma_semaphore, #tpu.memory_space<semaphore_mem>>)
        %dma_wait3A_41 = tpu.memref_slice %arg2[%multiple_of3A_14] : memref<524288xi32, #tpu.memory_space<hbm>> -> memref<128xi32, #tpu.memory_space<hbm>>
        %dma_wait3A_42 = tpu.memref_slice %arg2[%multiple_of3A_14] : memref<524288xi32, #tpu.memory_space<hbm>> -> memref<128xi32, #tpu.memory_space<hbm>>
        tpu.wait_dma2 semaphore(%run_scoped3A : memref<!tpu.dma_semaphore, #tpu.memory_space<semaphore_mem>>) src(%dma_wait3A_42 : memref<128xi32, #tpu.memory_space<hbm>>) dst(%arg9 : memref<128xi32, #tpu.memory_space<vmem>>)
        tpu.yield
      }) : () -> ()
      "tpu.region"() ({
        %run_scoped3A = tpu.sem_alloc : memref<!tpu.dma_semaphore, #tpu.memory_space<semaphore_mem>>
        %dma_start3A_39 = tpu.memref_slice %arg3[%multiple_of3A_14] : memref<524288xi32, #tpu.memory_space<hbm>> -> memref<128xi32, #tpu.memory_space<hbm>>
        %dma_start3A_40 = tpu.memref_slice %arg3[%multiple_of3A_14] : memref<524288xi32, #tpu.memory_space<hbm>> -> memref<128xi32, #tpu.memory_space<hbm>>
        tpu.enqueue_dma source(%dma_start3A_40 : memref<128xi32, #tpu.memory_space<hbm>>) target(%arg10 : memref<128xi32, #tpu.memory_space<vmem>>) target_semaphore(%run_scoped3A : memref<!tpu.dma_semaphore, #tpu.memory_space<semaphore_mem>>)
        %dma_wait3A_41 = tpu.memref_slice %arg3[%multiple_of3A_14] : memref<524288xi32, #tpu.memory_space<hbm>> -> memref<128xi32, #tpu.memory_space<hbm>>
        %dma_wait3A_42 = tpu.memref_slice %arg3[%multiple_of3A_14] : memref<524288xi32, #tpu.memory_space<hbm>> -> memref<128xi32, #tpu.memory_space<hbm>>
        tpu.wait_dma2 semaphore(%run_scoped3A : memref<!tpu.dma_semaphore, #tpu.memory_space<semaphore_mem>>) src(%dma_wait3A_42 : memref<128xi32, #tpu.memory_space<hbm>>) dst(%arg10 : memref<128xi32, #tpu.memory_space<vmem>>)
        tpu.yield
      }) : () -> ()
      "tpu.region"() ({
        %run_scoped3A = tpu.sem_alloc : memref<!tpu.dma_semaphore, #tpu.memory_space<semaphore_mem>>
        %dma_start3A_39 = tpu.memref_slice %arg4[%multiple_of3A_14] : memref<524288xi32, #tpu.memory_space<hbm>> -> memref<128xi32, #tpu.memory_space<hbm>>
        %dma_start3A_40 = tpu.memref_slice %arg4[%multiple_of3A_14] : memref<524288xi32, #tpu.memory_space<hbm>> -> memref<128xi32, #tpu.memory_space<hbm>>
        tpu.enqueue_dma source(%dma_start3A_40 : memref<128xi32, #tpu.memory_space<hbm>>) target(%arg11 : memref<128xi32, #tpu.memory_space<vmem>>) target_semaphore(%run_scoped3A : memref<!tpu.dma_semaphore, #tpu.memory_space<semaphore_mem>>)
        %dma_wait3A_41 = tpu.memref_slice %arg4[%multiple_of3A_14] : memref<524288xi32, #tpu.memory_space<hbm>> -> memref<128xi32, #tpu.memory_space<hbm>>
        %dma_wait3A_42 = tpu.memref_slice %arg4[%multiple_of3A_14] : memref<524288xi32, #tpu.memory_space<hbm>> -> memref<128xi32, #tpu.memory_space<hbm>>
        tpu.wait_dma2 semaphore(%run_scoped3A : memref<!tpu.dma_semaphore, #tpu.memory_space<semaphore_mem>>) src(%dma_wait3A_42 : memref<128xi32, #tpu.memory_space<hbm>>) dst(%arg11 : memref<128xi32, #tpu.memory_space<vmem>>)
        tpu.yield
      }) : () -> ()
      %dma_start3A = arith.constant 0 : i32
      %dma_start3A_15 = arith.constant 0 : i32
      %dma_start3A_16 = tpu.memref_slice %arg5[%dma_start3A, %dma_start3A_15] : memref<100000x128xf32, #tpu.memory_space<hbm>> -> memref<100000x128xf32, #tpu.memory_space<hbm>>
      tpu.enqueue_indirect_dma source(%dma_start3A_16 : memref<100000x128xf32, #tpu.memory_space<hbm>>) target(%arg12 : memref<128x128xf32, #tpu.memory_space<vmem>>) offsets(%arg9 : memref<128xi32, #tpu.memory_space<vmem>>) semaphore(%arg15 : memref<!tpu.dma_semaphore, #tpu.memory_space<semaphore_mem>>)
      %dma_start3A_17 = arith.constant 0 : i32
      %dma_start3A_18 = arith.constant 0 : i32
      %dma_start3A_19 = tpu.memref_slice %arg6[%dma_start3A_17, %dma_start3A_18] : memref<512x128xf32, #tpu.memory_space<hbm>> -> memref<512x128xf32, #tpu.memory_space<hbm>>
      tpu.enqueue_indirect_dma source(%dma_start3A_19 : memref<512x128xf32, #tpu.memory_space<hbm>>) target(%arg13 : memref<128x128xf32, #tpu.memory_space<vmem>>) offsets(%arg10 : memref<128xi32, #tpu.memory_space<vmem>>) semaphore(%arg16 : memref<!tpu.dma_semaphore, #tpu.memory_space<semaphore_mem>>)
      %dma_start3A_20 = arith.constant 0 : i32
      %dma_start3A_21 = arith.constant 0 : i32
      %dma_start3A_22 = tpu.memref_slice %arg7[%dma_start3A_20, %dma_start3A_21] : memref<3x128xf32, #tpu.memory_space<hbm>> -> memref<3x128xf32, #tpu.memory_space<hbm>>
      tpu.enqueue_indirect_dma source(%dma_start3A_22 : memref<3x128xf32, #tpu.memory_space<hbm>>) target(%arg14 : memref<128x128xf32, #tpu.memory_space<vmem>>) offsets(%arg11 : memref<128xi32, #tpu.memory_space<vmem>>) semaphore(%arg17 : memref<!tpu.dma_semaphore, #tpu.memory_space<semaphore_mem>>)
      %dma_wait3A = arith.constant 0 : i32
      %dma_wait3A_23 = arith.constant 0 : i32
      %dma_wait3A_24 = tpu.memref_slice %arg5[%dma_wait3A, %dma_wait3A_23] : memref<100000x128xf32, #tpu.memory_space<hbm>> -> memref<100000x128xf32, #tpu.memory_space<hbm>>
      tpu.wait_indirect_dma semaphore(%arg15 : memref<!tpu.dma_semaphore, #tpu.memory_space<semaphore_mem>>) src(%dma_wait3A_24 : memref<100000x128xf32, #tpu.memory_space<hbm>>) dst(%arg12 : memref<128x128xf32, #tpu.memory_space<vmem>>)
      %dma_wait3A_25 = arith.constant 0 : i32
      %dma_wait3A_26 = arith.constant 0 : i32
      %dma_wait3A_27 = tpu.memref_slice %arg6[%dma_wait3A_25, %dma_wait3A_26] : memref<512x128xf32, #tpu.memory_space<hbm>> -> memref<512x128xf32, #tpu.memory_space<hbm>>
      tpu.wait_indirect_dma semaphore(%arg16 : memref<!tpu.dma_semaphore, #tpu.memory_space<semaphore_mem>>) src(%dma_wait3A_27 : memref<512x128xf32, #tpu.memory_space<hbm>>) dst(%arg13 : memref<128x128xf32, #tpu.memory_space<vmem>>)
      %dma_wait3A_28 = arith.constant 0 : i32
      %dma_wait3A_29 = arith.constant 0 : i32
      %dma_wait3A_30 = tpu.memref_slice %arg7[%dma_wait3A_28, %dma_wait3A_29] : memref<3x128xf32, #tpu.memory_space<hbm>> -> memref<3x128xf32, #tpu.memory_space<hbm>>
      tpu.wait_indirect_dma semaphore(%arg17 : memref<!tpu.dma_semaphore, #tpu.memory_space<semaphore_mem>>) src(%dma_wait3A_30 : memref<3x128xf32, #tpu.memory_space<hbm>>) dst(%arg14 : memref<128x128xf32, #tpu.memory_space<vmem>>)
      %scan3A_31 = arith.constant 0 : i32
      %scan3A_32 = arith.constant 0 : i32
      %scan3A_33 = arith.constant 128 : i32
      %scan3A_34 = arith.addi %scan3A_32, %scan3A_33 : i32
      %scan3A_35 = arith.constant 1 : i32
      %scan3A_36 = scf.for %scan3A_39 = %scan3A_32 to %scan3A_34 step %scan3A_35 iter_args(%scan3A_40 = %scan3A_31) -> (i32)  : i32 {
        %get3A = arith.index_cast %scan3A_39 : i32 to index
        %get3A_41 = arith.constant 0 : index
        %get3A_42 = tpu.vector_load %arg12[%get3A, %get3A_41] {strides = array<i32>} : memref<128x128xf32, #tpu.memory_space<vmem>>, vector<1x16xf32>,
        %get3A_43 = vector.shape_cast %get3A_42 : vector<1x16xf32> to vector<16xf32>
        %get3A_44 = arith.index_cast %scan3A_39 : i32 to index
        %get3A_45 = arith.constant 0 : index
        %get3A_46 = tpu.vector_load %arg13[%get3A_44, %get3A_45] {strides = array<i32>} : memref<128x128xf32, #tpu.memory_space<vmem>>, vector<1x16xf32>,
        %get3A_47 = vector.shape_cast %get3A_46 : vector<1x16xf32> to vector<16xf32>
        %add3A_48 = arith.addf %get3A_43, %get3A_47 : vector<16xf32>
        %get3A_49 = arith.index_cast %scan3A_39 : i32 to index
        %get3A_50 = arith.constant 0 : index
        %get3A_51 = tpu.vector_load %arg14[%get3A_49, %get3A_50] {strides = array<i32>} : memref<128x128xf32, #tpu.memory_space<vmem>>, vector<1x16xf32>,
        %get3A_52 = vector.shape_cast %get3A_51 : vector<1x16xf32> to vector<16xf32>
        %add3A_53 = arith.addf %add3A_48, %get3A_52 : vector<16xf32>
        %swap3A = arith.index_cast %scan3A_39 : i32 to index
        %swap3A_54 = arith.constant 0 : index
        %swap3A_55 = tpu.vector_load %arg12[%swap3A, %swap3A_54] {strides = array<i32>} : memref<128x128xf32, #tpu.memory_space<vmem>>, vector<1x16xf32>,
        %swap3A_56 = vector.shape_cast %swap3A_55 : vector<1x16xf32> to vector<16xf32>
        %swap3A_57 = vector.shape_cast %add3A_53 : vector<16xf32> to vector<1x16xf32>
        tpu.vector_store %arg12[%swap3A, %swap3A_54], %swap3A_57 {strides = array<i32>} : memref<128x128xf32, #tpu.memory_space<vmem>>, vector<1x16xf32>,
        %get3A_58 = arith.index_cast %scan3A_39 : i32 to index
        %get3A_59 = arith.constant 16 : index
        %get3A_60 = tpu.vector_load %arg12[%get3A_58, %get3A_59] {strides = array<i32>} : memref<128x128xf32, #tpu.memory_space<vmem>>, vector<1x16xf32>,
        %get3A_61 = vector.shape_cast %get3A_60 : vector<1x16xf32> to vector<16xf32>
        %get3A_62 = arith.index_cast %scan3A_39 : i32 to index
        %get3A_63 = arith.constant 16 : index
        %get3A_64 = tpu.vector_load %arg13[%get3A_62, %get3A_63] {strides = array<i32>} : memref<128x128xf32, #tpu.memory_space<vmem>>, vector<1x16xf32>,
        %get3A_65 = vector.shape_cast %get3A_64 : vector<1x16xf32> to vector<16xf32>
        %add3A_66 = arith.addf %get3A_61, %get3A_65 : vector<16xf32>
        %get3A_67 = arith.index_cast %scan3A_39 : i32 to index
        %get3A_68 = arith.constant 16 : index
        %get3A_69 = tpu.vector_load %arg14[%get3A_67, %get3A_68] {strides = array<i32>} : memref<128x128xf32, #tpu.memory_space<vmem>>, vector<1x16xf32>,
        %get3A_70 = vector.shape_cast %get3A_69 : vector<1x16xf32> to vector<16xf32>
        %add3A_71 = arith.addf %add3A_66, %get3A_70 : vector<16xf32>
        %swap3A_72 = arith.index_cast %scan3A_39 : i32 to index
        %swap3A_73 = arith.constant 16 : index
        %swap3A_74 = tpu.vector_load %arg12[%swap3A_72, %swap3A_73] {strides = array<i32>} : memref<128x128xf32, #tpu.memory_space<vmem>>, vector<1x16xf32>,
        %swap3A_75 = vector.shape_cast %swap3A_74 : vector<1x16xf32> to vector<16xf32>
        %swap3A_76 = vector.shape_cast %add3A_71 : vector<16xf32> to vector<1x16xf32>
        tpu.vector_store %arg12[%swap3A_72, %swap3A_73], %swap3A_76 {strides = array<i32>} : memref<128x128xf32, #tpu.memory_space<vmem>>, vector<1x16xf32>,
        %get3A_77 = arith.index_cast %scan3A_39 : i32 to index
        %get3A_78 = arith.constant 32 : index
        %get3A_79 = tpu.vector_load %arg12[%get3A_77, %get3A_78] {strides = array<i32>} : memref<128x128xf32, #tpu.memory_space<vmem>>, vector<1x16xf32>,
        %get3A_80 = vector.shape_cast %get3A_79 : vector<1x16xf32> to vector<16xf32>
        %get3A_81 = arith.index_cast %scan3A_39 : i32 to index
        %get3A_82 = arith.constant 32 : index
        %get3A_83 = tpu.vector_load %arg13[%get3A_81, %get3A_82] {strides = array<i32>} : memref<128x128xf32, #tpu.memory_space<vmem>>, vector<1x16xf32>,
        %get3A_84 = vector.shape_cast %get3A_83 : vector<1x16xf32> to vector<16xf32>
        %add3A_85 = arith.addf %get3A_80, %get3A_84 : vector<16xf32>
        %get3A_86 = arith.index_cast %scan3A_39 : i32 to index
        %get3A_87 = arith.constant 32 : index
        %get3A_88 = tpu.vector_load %arg14[%get3A_86, %get3A_87] {strides = array<i32>} : memref<128x128xf32, #tpu.memory_space<vmem>>, vector<1x16xf32>,
        %get3A_89 = vector.shape_cast %get3A_88 : vector<1x16xf32> to vector<16xf32>
        %add3A_90 = arith.addf %add3A_85, %get3A_89 : vector<16xf32>
        %swap3A_91 = arith.index_cast %scan3A_39 : i32 to index
        %swap3A_92 = arith.constant 32 : index
        %swap3A_93 = tpu.vector_load %arg12[%swap3A_91, %swap3A_92] {strides = array<i32>} : memref<128x128xf32, #tpu.memory_space<vmem>>, vector<1x16xf32>,
        %swap3A_94 = vector.shape_cast %swap3A_93 : vector<1x16xf32> to vector<16xf32>
        %swap3A_95 = vector.shape_cast %add3A_90 : vector<16xf32> to vector<1x16xf32>
        tpu.vector_store %arg12[%swap3A_91, %swap3A_92], %swap3A_95 {strides = array<i32>} : memref<128x128xf32, #tpu.memory_space<vmem>>, vector<1x16xf32>,
        %get3A_96 = arith.index_cast %scan3A_39 : i32 to index
        %get3A_97 = arith.constant 48 : index
        %get3A_98 = tpu.vector_load %arg12[%get3A_96, %get3A_97] {strides = array<i32>} : memref<128x128xf32, #tpu.memory_space<vmem>>, vector<1x16xf32>,
        %get3A_99 = vector.shape_cast %get3A_98 : vector<1x16xf32> to vector<16xf32>
        %get3A_100 = arith.index_cast %scan3A_39 : i32 to index
        %get3A_101 = arith.constant 48 : index
        %get3A_102 = tpu.vector_load %arg13[%get3A_100, %get3A_101] {strides = array<i32>} : memref<128x128xf32, #tpu.memory_space<vmem>>, vector<1x16xf32>,
        %get3A_103 = vector.shape_cast %get3A_102 : vector<1x16xf32> to vector<16xf32>
        %add3A_104 = arith.addf %get3A_99, %get3A_103 : vector<16xf32>
        %get3A_105 = arith.index_cast %scan3A_39 : i32 to index
        %get3A_106 = arith.constant 48 : index
        %get3A_107 = tpu.vector_load %arg14[%get3A_105, %get3A_106] {strides = array<i32>} : memref<128x128xf32, #tpu.memory_space<vmem>>, vector<1x16xf32>,
        %get3A_108 = vector.shape_cast %get3A_107 : vector<1x16xf32> to vector<16xf32>
        %add3A_109 = arith.addf %add3A_104, %get3A_108 : vector<16xf32>
        %swap3A_110 = arith.index_cast %scan3A_39 : i32 to index
        %swap3A_111 = arith.constant 48 : index
        %swap3A_112 = tpu.vector_load %arg12[%swap3A_110, %swap3A_111] {strides = array<i32>} : memref<128x128xf32, #tpu.memory_space<vmem>>, vector<1x16xf32>,
        %swap3A_113 = vector.shape_cast %swap3A_112 : vector<1x16xf32> to vector<16xf32>
        %swap3A_114 = vector.shape_cast %add3A_109 : vector<16xf32> to vector<1x16xf32>
        tpu.vector_store %arg12[%swap3A_110, %swap3A_111], %swap3A_114 {strides = array<i32>} : memref<128x128xf32, #tpu.memory_space<vmem>>, vector<1x16xf32>,
        %get3A_115 = arith.index_cast %scan3A_39 : i32 to index
        %get3A_116 = arith.constant 64 : index
        %get3A_117 = tpu.vector_load %arg12[%get3A_115, %get3A_116] {strides = array<i32>} : memref<128x128xf32, #tpu.memory_space<vmem>>, vector<1x16xf32>,
        %get3A_118 = vector.shape_cast %get3A_117 : vector<1x16xf32> to vector<16xf32>
        %get3A_119 = arith.index_cast %scan3A_39 : i32 to index
        %get3A_120 = arith.constant 64 : index
        %get3A_121 = tpu.vector_load %arg13[%get3A_119, %get3A_120] {strides = array<i32>} : memref<128x128xf32, #tpu.memory_space<vmem>>, vector<1x16xf32>,
        %get3A_122 = vector.shape_cast %get3A_121 : vector<1x16xf32> to vector<16xf32>
        %add3A_123 = arith.addf %get3A_118, %get3A_122 : vector<16xf32>
        %get3A_124 = arith.index_cast %scan3A_39 : i32 to index
        %get3A_125 = arith.constant 64 : index
        %get3A_126 = tpu.vector_load %arg14[%get3A_124, %get3A_125] {strides = array<i32>} : memref<128x128xf32, #tpu.memory_space<vmem>>, vector<1x16xf32>,
        %get3A_127 = vector.shape_cast %get3A_126 : vector<1x16xf32> to vector<16xf32>
        %add3A_128 = arith.addf %add3A_123, %get3A_127 : vector<16xf32>
        %swap3A_129 = arith.index_cast %scan3A_39 : i32 to index
        %swap3A_130 = arith.constant 64 : index
        %swap3A_131 = tpu.vector_load %arg12[%swap3A_129, %swap3A_130] {strides = array<i32>} : memref<128x128xf32, #tpu.memory_space<vmem>>, vector<1x16xf32>,
        %swap3A_132 = vector.shape_cast %swap3A_131 : vector<1x16xf32> to vector<16xf32>
        %swap3A_133 = vector.shape_cast %add3A_128 : vector<16xf32> to vector<1x16xf32>
        tpu.vector_store %arg12[%swap3A_129, %swap3A_130], %swap3A_133 {strides = array<i32>} : memref<128x128xf32, #tpu.memory_space<vmem>>, vector<1x16xf32>,
        %get3A_134 = arith.index_cast %scan3A_39 : i32 to index
        %get3A_135 = arith.constant 80 : index
        %get3A_136 = tpu.vector_load %arg12[%get3A_134, %get3A_135] {strides = array<i32>} : memref<128x128xf32, #tpu.memory_space<vmem>>, vector<1x16xf32>,
        %get3A_137 = vector.shape_cast %get3A_136 : vector<1x16xf32> to vector<16xf32>
        %get3A_138 = arith.index_cast %scan3A_39 : i32 to index
        %get3A_139 = arith.constant 80 : index
        %get3A_140 = tpu.vector_load %arg13[%get3A_138, %get3A_139] {strides = array<i32>} : memref<128x128xf32, #tpu.memory_space<vmem>>, vector<1x16xf32>,
        %get3A_141 = vector.shape_cast %get3A_140 : vector<1x16xf32> to vector<16xf32>
        %add3A_142 = arith.addf %get3A_137, %get3A_141 : vector<16xf32>
        %get3A_143 = arith.index_cast %scan3A_39 : i32 to index
        %get3A_144 = arith.constant 80 : index
        %get3A_145 = tpu.vector_load %arg14[%get3A_143, %get3A_144] {strides = array<i32>} : memref<128x128xf32, #tpu.memory_space<vmem>>, vector<1x16xf32>,
        %get3A_146 = vector.shape_cast %get3A_145 : vector<1x16xf32> to vector<16xf32>
        %add3A_147 = arith.addf %add3A_142, %get3A_146 : vector<16xf32>
        %swap3A_148 = arith.index_cast %scan3A_39 : i32 to index
        %swap3A_149 = arith.constant 80 : index
        %swap3A_150 = tpu.vector_load %arg12[%swap3A_148, %swap3A_149] {strides = array<i32>} : memref<128x128xf32, #tpu.memory_space<vmem>>, vector<1x16xf32>,
        %swap3A_151 = vector.shape_cast %swap3A_150 : vector<1x16xf32> to vector<16xf32>
        %swap3A_152 = vector.shape_cast %add3A_147 : vector<16xf32> to vector<1x16xf32>
        tpu.vector_store %arg12[%swap3A_148, %swap3A_149], %swap3A_152 {strides = array<i32>} : memref<128x128xf32, #tpu.memory_space<vmem>>, vector<1x16xf32>,
        %get3A_153 = arith.index_cast %scan3A_39 : i32 to index
        %get3A_154 = arith.constant 96 : index
        %get3A_155 = tpu.vector_load %arg12[%get3A_153, %get3A_154] {strides = array<i32>} : memref<128x128xf32, #tpu.memory_space<vmem>>, vector<1x16xf32>,
        %get3A_156 = vector.shape_cast %get3A_155 : vector<1x16xf32> to vector<16xf32>
        %get3A_157 = arith.index_cast %scan3A_39 : i32 to index
        %get3A_158 = arith.constant 96 : index
        %get3A_159 = tpu.vector_load %arg13[%get3A_157, %get3A_158] {strides = array<i32>} : memref<128x128xf32, #tpu.memory_space<vmem>>, vector<1x16xf32>,
        %get3A_160 = vector.shape_cast %get3A_159 : vector<1x16xf32> to vector<16xf32>
        %add3A_161 = arith.addf %get3A_156, %get3A_160 : vector<16xf32>
        %get3A_162 = arith.index_cast %scan3A_39 : i32 to index
        %get3A_163 = arith.constant 96 : index
        %get3A_164 = tpu.vector_load %arg14[%get3A_162, %get3A_163] {strides = array<i32>} : memref<128x128xf32, #tpu.memory_space<vmem>>, vector<1x16xf32>,
        %get3A_165 = vector.shape_cast %get3A_164 : vector<1x16xf32> to vector<16xf32>
        %add3A_166 = arith.addf %add3A_161, %get3A_165 : vector<16xf32>
        %swap3A_167 = arith.index_cast %scan3A_39 : i32 to index
        %swap3A_168 = arith.constant 96 : index
        %swap3A_169 = tpu.vector_load %arg12[%swap3A_167, %swap3A_168] {strides = array<i32>} : memref<128x128xf32, #tpu.memory_space<vmem>>, vector<1x16xf32>,
        %swap3A_170 = vector.shape_cast %swap3A_169 : vector<1x16xf32> to vector<16xf32>
        %swap3A_171 = vector.shape_cast %add3A_166 : vector<16xf32> to vector<1x16xf32>
        tpu.vector_store %arg12[%swap3A_167, %swap3A_168], %swap3A_171 {strides = array<i32>} : memref<128x128xf32, #tpu.memory_space<vmem>>, vector<1x16xf32>,
        %get3A_172 = arith.index_cast %scan3A_39 : i32 to index
        %get3A_173 = arith.constant 112 : index
        %get3A_174 = tpu.vector_load %arg12[%get3A_172, %get3A_173] {strides = array<i32>} : memref<128x128xf32, #tpu.memory_space<vmem>>, vector<1x16xf32>,
        %get3A_175 = vector.shape_cast %get3A_174 : vector<1x16xf32> to vector<16xf32>
        %get3A_176 = arith.index_cast %scan3A_39 : i32 to index
        %get3A_177 = arith.constant 112 : index
        %get3A_178 = tpu.vector_load %arg13[%get3A_176, %get3A_177] {strides = array<i32>} : memref<128x128xf32, #tpu.memory_space<vmem>>, vector<1x16xf32>,
        %get3A_179 = vector.shape_cast %get3A_178 : vector<1x16xf32> to vector<16xf32>
        %add3A_180 = arith.addf %get3A_175, %get3A_179 : vector<16xf32>
        %get3A_181 = arith.index_cast %scan3A_39 : i32 to index
        %get3A_182 = arith.constant 112 : index
        %get3A_183 = tpu.vector_load %arg14[%get3A_181, %get3A_182] {strides = array<i32>} : memref<128x128xf32, #tpu.memory_space<vmem>>, vector<1x16xf32>,
        %get3A_184 = vector.shape_cast %get3A_183 : vector<1x16xf32> to vector<16xf32>
        %add3A_185 = arith.addf %add3A_180, %get3A_184 : vector<16xf32>
        %swap3A_186 = arith.index_cast %scan3A_39 : i32 to index
        %swap3A_187 = arith.constant 112 : index
        %swap3A_188 = tpu.vector_load %arg12[%swap3A_186, %swap3A_187] {strides = array<i32>} : memref<128x128xf32, #tpu.memory_space<vmem>>, vector<1x16xf32>,
        %swap3A_189 = vector.shape_cast %swap3A_188 : vector<1x16xf32> to vector<16xf32>
        %swap3A_190 = vector.shape_cast %add3A_185 : vector<16xf32> to vector<1x16xf32>
        tpu.vector_store %arg12[%swap3A_186, %swap3A_187], %swap3A_190 {strides = array<i32>} : memref<128x128xf32, #tpu.memory_space<vmem>>, vector<1x16xf32>,
        %scan3A_191 = arith.constant 0 : i32
        scf.yield %scan3A_191 : i32
      }
      %scan3A_37 = arith.constant 128 : i32
      "tpu.region"() ({
        %run_scoped3A = tpu.sem_alloc : memref<!tpu.dma_semaphore, #tpu.memory_space<semaphore_mem>>
        %dma_start3A_39 = arith.constant 0 : i32
        %dma_start3A_40 = tpu.memref_slice %arg8[%multiple_of3A_14, %dma_start3A_39] : memref<524288x128xf32, #tpu.memory_space<hbm>> -> memref<128x128xf32, #tpu.memory_space<hbm>>
        %dma_start3A_41 = arith.constant 0 : i32
        %dma_start3A_42 = tpu.memref_slice %arg8[%multiple_of3A_14, %dma_start3A_41] : memref<524288x128xf32, #tpu.memory_space<hbm>> -> memref<128x128xf32, #tpu.memory_space<hbm>>
        tpu.enqueue_dma source(%arg12 : memref<128x128xf32, #tpu.memory_space<vmem>>) target(%dma_start3A_42 : memref<128x128xf32, #tpu.memory_space<hbm>>) target_semaphore(%run_scoped3A : memref<!tpu.dma_semaphore, #tpu.memory_space<semaphore_mem>>)
        %dma_wait3A_43 = arith.constant 0 : i32
        %dma_wait3A_44 = tpu.memref_slice %arg8[%multiple_of3A_14, %dma_wait3A_43] : memref<524288x128xf32, #tpu.memory_space<hbm>> -> memref<128x128xf32, #tpu.memory_space<hbm>>
        %dma_wait3A_45 = arith.constant 0 : i32
        %dma_wait3A_46 = tpu.memref_slice %arg8[%multiple_of3A_14, %dma_wait3A_45] : memref<524288x128xf32, #tpu.memory_space<hbm>> -> memref<128x128xf32, #tpu.memory_space<hbm>>
        tpu.wait_dma2 semaphore(%run_scoped3A : memref<!tpu.dma_semaphore, #tpu.memory_space<semaphore_mem>>) src(%arg12 : memref<128x128xf32, #tpu.memory_space<vmem>>) dst(%dma_wait3A_46 : memref<128x128xf32, #tpu.memory_space<hbm>>)
        tpu.yield
      }) : () -> ()
      %scan3A_38 = arith.constant 0 : i32
      scf.yield %scan3A_38 : i32
    }
    %scan3A_8 = arith.constant 128 : i32
    return
  }
}

</mosaic_0001>

<sc_bundles>
// kernel: _embed.3.cloned.1.call-start
scs
__scs_entry_jumppad:
0x0: {  	(pc) =	sbr.rel $0x88, $3  }
0x1: {  	(tag) =	ssettag $0x0;
	lr =	simm.s32 $0x1  }
0x2: {  	[smem:$0x3F9B] =	sst lr;
	_ =	strace $0xD0000000  }
0x3: {  	_ = 	snop  }
0x4: {  	_ = 	snop  }
0x5: {  	_ = 	snop  }
0x6: {  	_ = 	snop  }
0x7: {  	_ = 	snop  }
__scs_overlays_trampoline_lowered:
0x8: {  	[smem:$0x3FAA] =	sst s0  }
0x9: {  	[smem:$0x3FAB] =	sst s1  }
0xa: {  	[smem:$0x3FAC] =	sst s2  }
0xb: {  	[smem:$0x3FAD] =	sst s3  }
0xc: {  	[smem:$0x3FAE] =	sst s4  }
0xd: {  	[smem:$0x3FAF] =	sst s5  }
0xe: {  	[smem:$0x3FB0] =	sst s6  }
0xf: {  	[smem:$0x3FB1] =	sst s7  }
0x10: {  	[smem:$0x3FB2] =	sst s8  }
0x11: {  	[smem:$0x3FB3] =	sst s9;
	s0 =	simm.s32 @!p0 $0x0  }
0x12: {  	s1 =	sld [smem:$0x3F99];
	s0 =	simm.s32 @p0 $0x1  }
0x13: {  	[smem:$0x3FB4] =	sst s0;
	s0 =	simm.s32 @!p1 $0x0  }
0x14: {  	s2 =	sld [smem:$0x3F98];
	s0 =	simm.s32 @p1 $0x1  }
0x15: {  	[smem:$0x3FB5] =	sst s0;
	s0 =	simm.s32 @!p2 $0x0  }
0x16: {  	s3 =	sld [smem:$0x3FDB];
	s0 =	simm.s32 @p2 $0x1  }
0x17: {  	s4 =	simm.s32 $0x1BF5;
	[smem:$0x3FB7] =	sst s0  }
0x18: {  	s0 =	sld [smem:$0x3F9A];
	_ =	swait.ge [sflag:s4], $0x0  }
0x19: {  	s7 =	sld [smem:$0x3F9B]  }
0x1a: {  	s8 =	sadd.s32 $0xFFFFE003, lr  }
0x1b: {  	s9 =	sadd.s32 $0xFFFFFEF7, lr;
	s5 =	simm.s32 $0xFFFFFFFF;
	p2 =	slt.u32 s8, $0xFFFFF086  }
0x1c: {  	p1 =	slt.u32 s9, $0xF7A;
	s5 =	simm.s32 @!p2 $0x0  }
0x1d: {  	s5 =	simm.s32 @p1 $0x1;
	p0 =	seq.s32 s7, s2  }
0x1e: {  	s7 =	smul.u32 @!p0 $0xF7A, s2;
	p2 =	seq.s32 @!p0 s5, $0x0  }
0x1f: {  	s9 =	smul.u32 $0xF7A, s1;
	s8 =	simm.s32 @!p0 $0x1BF5;
	p2 =	por !p2, p0  }
0x20: {  	[sflag:s8] =	ssyncset.s32 @!p0 $0xFFFFF086;
	s6 =	sadd.s32 @!p0 s3, s7;
	s7 =	simm.s32 @!p0 $0x108  }
0x21: {  	s3 =	sadd.s32 s3, s9;
	s6 =	sadd.s32 @!p0 $0x88, s6;
	s7 =	simm.s32 @p2 $0x1082  }
0x22: {  	[simem:s7], [sflag:s8] =	dma.local @!p0 [hbm:s6], $0xF7A  }
0x23: {  	s9 =	sor.u32 $0xD0000000, s2;
	s6 =	simm.s32 $0x108;
	_ =	swait.ge @!p0 [sflag:s8], $0x0  }
0x24: {  	s3 =	sadd.s32 $0x88, s3;
	s6 =	simm.s32 @!p1 $0x1082;
	[sflag:s4] =	ssyncset.s32 $0xFFFFF086  }
0x25: {  	[simem:s6], [sflag:s4] =	dma.local [hbm:s3], $0xF7A  }
0x26: {  	[smem:$0x3F9B] =	sst s1;
	(tag) =	ssettag s2;
	_ =	strace s9  }
0x27: {  	s1 =	sld [smem:$0x3FAB]  }
0x28: {  	s2 =	sld [smem:$0x3FAC]  }
0x29: {  	s4 =	sld [smem:$0x3FAE]  }
0x2a: {  	p0 =	seq.s32 s5, $0x0;
	s5 =	sld [smem:$0x3FAF]  }
0x2b: {  	s6 =	sld [smem:$0x3FB0]  }
0x2c: {  	s7 =	sld [smem:$0x3FB1]  }
0x2d: {  	s3 =	simm.s32 $0x108;
	s8 =	sld [smem:$0x3FB2]  }
0x2e: {  	s3 =	simm.s32 @!p0 $0x1082;
	s9 =	sld [smem:$0x3FB3]  }
0x2f: {  	lr =	sadd.s32 s0, s3;
	s0 =	sld [smem:$0x3FAA]  }
0x30: {  	s3 =	sld [smem:$0x3FAD]  }
0x31: {  	[smem:$0x3FB6] =	sst s10  }
0x32: {  	s10 =	sld [smem:$0x3FB4];
	_ =	sdelay $0x3  }
0x33: {  	p0 =	seq.s32 s10, $0x1;
	s10 =	sld [smem:$0x3FB6];
	_ =	sdelay $0x3  }
0x34: {  	[smem:$0x3FB6] =	sst s10  }
0x35: {  	s10 =	sld [smem:$0x3FB5];
	_ =	sdelay $0x3  }
0x36: {  	p1 =	seq.s32 s10, $0x1;
	s10 =	sld [smem:$0x3FB6];
	_ =	sdelay $0x3  }
0x37: {  	[smem:$0x3FB6] =	sst s10  }
0x38: {  	s10 =	sld [smem:$0x3FB7]  }
0x39: {  	_ = 	snop;
	(pc) =	sbr.ind lr, $3  }
0x3a: {  	_ = 	snop  }
0x3b: {  	_ = 	snop  }
0x3c: {  	p2 =	seq.s32 s10, $0x1;
	s10 =	sld [smem:$0x3FB6]  }
0x3d: {  	_ =	shalt  }
0x3e: {  	_ =	shalt  }
0x3f: {  	_ =	shalt  }
0x40: {  	_ =	shalt  }
0x41: {  	_ =	shalt  }
0x42: {  	_ =	shalt  }
0x43: {  	_ =	shalt  }
0x44: {  	_ =	shalt  }
0x45: {  	_ =	shalt  }
0x46: {  	_ =	shalt  }
0x47: {  	_ =	shalt  }
0x48: {  	_ =	shalt  }
0x49: {  	_ =	shalt  }
0x4a: {  	_ =	shalt  }
0x4b: {  	_ =	shalt  }
0x4c: {  	_ =	shalt  }
0x4d: {  	_ =	shalt  }
0x4e: {  	_ =	shalt  }
0x4f: {  	_ =	shalt  }
0x50: {  	_ =	shalt  }
0x51: {  	_ =	shalt  }
0x52: {  	_ =	shalt  }
0x53: {  	_ =	shalt  }
0x54: {  	_ =	shalt  }
0x55: {  	_ =	shalt  }
0x56: {  	_ =	shalt  }
0x57: {  	_ =	shalt  }
0x58: {  	_ =	shalt  }
0x59: {  	_ =	shalt  }
0x5a: {  	_ =	shalt  }
0x5b: {  	_ =	shalt  }
0x5c: {  	_ =	shalt  }
0x5d: {  	_ =	shalt  }
0x5e: {  	_ =	shalt  }
0x5f: {  	_ =	shalt  }
0x60: {  	_ =	shalt  }
0x61: {  	_ =	shalt  }
0x62: {  	_ =	shalt  }
0x63: {  	_ =	shalt  }
0x64: {  	_ =	shalt  }
0x65: {  	_ =	shalt  }
0x66: {  	_ =	shalt  }
0x67: {  	_ =	shalt  }
0x68: {  	_ =	shalt  }
0x69: {  	_ =	shalt  }
0x6a: {  	_ =	shalt  }
0x6b: {  	_ =	shalt  }
0x6c: {  	_ =	shalt  }
0x6d: {  	_ =	shalt  }
0x6e: {  	_ =	shalt  }
0x6f: {  	_ =	shalt  }
0x70: {  	_ =	shalt  }
0x71: {  	_ =	shalt  }
0x72: {  	_ =	shalt  }
0x73: {  	_ =	shalt  }
0x74: {  	_ =	shalt  }
0x75: {  	_ =	shalt  }
0x76: {  	_ =	shalt  }
0x77: {  	_ =	shalt  }
0x78: {  	_ =	shalt  }
0x79: {  	_ =	shalt  }
0x7a: {  	_ =	shalt  }
0x7b: {  	_ =	shalt  }
0x7c: {  	_ =	shalt  }
0x7d: {  	_ =	shalt  }
0x7e: {  	_ =	shalt  }
0x7f: {  	_ =	shalt  }
0x80: {  	_ =	shalt  }
0x81: {  	_ =	shalt  }
0x82: {  	_ =	shalt  }
0x83: {  	_ =	shalt  }
0x84: {  	_ =	shalt  }
0x85: {  	_ =	shalt  }
0x86: {  	_ =	shalt  }
0x87: {  	_ =	shalt  }
.Lfunc_end0:
.L_simem_size_0:
called_computation_lowered:
.L_overlay_start_0:
0x88: {  	s2 =	sld [smem:$0x3FD9]  }
0x89: {  	s3 =	sld [smem:$0x3FFE];
	_ =	sdelay $0x1  }
0x8a: {  	s1 =	srdreg.scid  }
0x8b: {  	s0 =	sand.u32 $0x1, s1  }
0x8c: {  	s18 =	sshll.u32 s0, $0xA;
	s2 =	sadd.s32 s3, s2  }
0x8d: {  	s2 =	sadd.s32 s2, s18  }
0x8e: {  	[smem:$0x3FC2] =	sst s2  }
0x8f: {  	_ = 	snop  }
0x90: {  	s2 =	sld [smem:$0x3FC9]  }
0x91: {  	s19 =	sld [smem:$0x3FC8]  }
0x92: {  	s4 =	sld [smem:$0x3FC7]  }
0x93: {  	s5 =	sld [smem:$0x3FC6]  }
0x94: {  	s6 =	sld [smem:$0x3FC5]  }
0x95: {  	s7 =	sld [smem:$0x3FC4]  }
0x96: {  	s8 =	sld [smem:$0x3FD0];
	(tm) =	ssettm $0x1  }
0x97: {  	s9 =	sld [smem:$0x3FFB];
	_ =	sdelay $0x3  }
0x98: {  	_ =	strace s9  }
0x99: {  	s9 =	sld [smem:$0x3FFC];
	_ =	sdelay $0x3  }
0x9a: {  	_ =	strace s9  }
0x9b: {  	s9 =	sld [smem:$0x3FFD];
	_ =	sdelay $0x3  }
0x9c: {  	_ =	strace s9  }
0x9d: {  	_ =	strace $0x8FFFFFFF  }
0x9e: {  	s20 =	sld [smem:$0x3FDB];
	_ =	sdelay $0x1  }
0x9f: {  	s10 =	simm.s32 $_scs_section_size  }
0xa0: {  	s11 =	simm.s32 $_size__tile_overlayer_lowered;
	s12 =	simm.s32 $_tile_overlayer_lowered  }
0xa1: {  	s23 =	simm.s32 $0x1BFF;
	s22 =	sshll.u32 s12, $0x1;
	s9 =	sadd.s32 s10, s20  }
0xa2: {  	s13 =	simm.s32 $0x0;
	s21 =	sshll.u32 s11, $0x1;
	s11 =	sadd.s32 s22, s9  }
0xa3: {  	[timem:s13], [sflag:s23] =	dma.local [hbm:s11], s21  }
0xa4: {  	_ =	swait.ge [sflag:s23], s21  }
0xa5: {  	s10 =	ssub.s32 $0x0, s21;
	[sflag:s23] =	ssyncset.done $0x0  }
0xa6: {  	[sflag:s23] =	ssyncadd.s32 s10;
	_ =	sdelay $0x1  }
0xa7: {  	s24 =	simm.s32 $0x1B8B  }
0xa8: {  	_ =	swait.ge [sflag:s24], $0x1  }
0xa9: {  	[sflag:s24] =	ssyncset.done $0x0  }
0xaa: {  	s25 =	simm.s32 $0x1B8E;
	[sflag:s24] =	ssyncadd.s32 $0xFFFFFFFF  }
0xab: {  	s26 =	simm.s32 $execute0_lowered;
	[smem:$0x3FD2] =	sst s25  }
0xac: {  	s10 =	sshll.u32 s26, $0x1;
	_ =	strace $0x80000046;
	[dreg:$0x1] =	wrdreg $0xFFFFFFFF  }
0xad: {  	s28 =	simm.s32 $_size_execute0_lowered;
	s9 =	sadd.s32 s9, s10;
	[dreg:$0x0] =	wrdreg $0x0  }
0xae: {  	s10 =	sshll.u32 s28, $0x1;
	[dreg:$0x2] =	wrdreg s9  }
0xaf: {  	[dreg:$0x3] =	wrdreg s10  }
0xb0: {  	[dreg:$0x4] =	wrdreg $0xC0  }
0xb1: {  	_ =	task [dreg:s13], $0x5FFFF  }
0xb2: {  	[dreg:$0x1] =	wrdreg $0xFFFFFFFF  }
0xb3: {  	[dreg:$0x0] =	wrdreg $0x60  }
0xb4: {  	[dreg:$0x2] =	wrdreg s2  }
0xb5: {  	[dreg:$0x3] =	wrdreg s19  }
0xb6: {  	[dreg:$0x4] =	wrdreg s4  }
0xb7: {  	[dreg:$0x5] =	wrdreg s5  }
0xb8: {  	[dreg:$0x6] =	wrdreg s6  }
0xb9: {  	[dreg:$0x7] =	wrdreg s7  }
0xba: {  	[dreg:$0x8] =	wrdreg s8  }
0xbb: {  	[dreg:$0x9] =	wrdreg $0x9  }
0xbc: {  	_ =	task.clear_ibuf [dreg:s13], $0xAFFFF;
	_ =	strace $0x90000046  }
0xbd: {  	s29 =	simm.s32 $0x9;
	_ =	strace $0x80000048  }
0xbe: {  	_ =	swait.ge [sflag:s29], $0x1  }
0xbf: {  	[sflag:s29] =	ssyncadd.s32 $0xFFFFFFFF  }
0xc0: {  	_ =	strace $0x90000048  }
0xc1: {  	_ =	sfence  }
0xc2: {  	s30 =	sld [smem:$0x0];
	_ =	sdelay $0x2  }
0xc3: {  	s31 =	sshll.u32 s1, $0xD;
	s1 =	sshrl.u32 s1, $0x2  }
0xc4: {  	s3 =	sand.u32 $0x4000, s31;
	s1 =	sadd.s32 s1, s30  }
0xc5: {  	s0 =	sor.u32 s3, s0;
	s1 =	sshll.u32 s1, $0x11  }
0xc6: {  	s0 =	sor.u32 s1, s0  }
0xc7: {  	s0 =	sadd.s32 $0x8F2B, s0  }
0xc8: {  	[sflag:s0] =	ssyncadd.remote.s32 $0x1  }
0xc9: {  	_ =	sfence.sel $0xFFFF  }
0xca: {  	[dreg:$0x0] =	wrdreg $0xFFFFFFFF;
	(pc) =	sbr.abs _section_cstart, $3  }
0xcb: {  	[dreg:$0x1] =	wrdreg $0xFFFFFFFF  }
0xcc: {  	_ =	task.clear_ibuf [dreg:s13], $0x2FFFF;
	_ =	strace $0x9FFFFFFF  }
0xcd: {  	(tm) =	ssettm $0x7FFFFFFF  }
tec
execute0_lowered:
.L_overlay_start_1:
0x0: {  	(tag) =	ssettag $0x1  }
0x1: {  	s0 =	rddreg [dreg:$0x0]  }
0x2: {  	s1 =	rddreg [dreg:$0x1]  }
0x3: {  	s3 =	rddreg [dreg:$0x2]  }
0x4: {  	s4 =	rddreg [dreg:$0x3]  }
0x5: {  	s5 =	rddreg [dreg:$0x4]  }
0x6: {  	s6 =	rddreg [dreg:$0x5]  }
0x7: {  	s7 =	rddreg [dreg:$0x6]  }
0x8: {  	s9 =	srdreg.scid;
	s2 =	rddreg [dreg:$0x7];
	s8 =	simm.s32 $0x0  }
0x9: {  	s13 =	simm.s32 $0x80;
	s14 =	simm.s32 $0x100;
	s15 =	simm.s32 $0x180  }
0xa: {  	s16 =	simm.s32 $0x4180;
	s17 =	simm.s32 $0x8180;
	s18 =	simm.s32 $0x1  }
0xb: {  	s19 =	simm.s32 $0x2;
	s20 =	simm.s32 $0x3;
	s10 =	sand.u32 $0x1, s9  }
0xc: {  	s21 =	simm.s32 $0x0;
	[smem:$0x7FF] =	sst s8;
	s11 =	ssub.s32 $0x2, s10  }
0xd: {  	s9 =	stileid.u32;
	_ =	strace $0x80000047;
	s12 =	sshrl.u32 s11, $0x1  }
0xe: {  	s31 =	sshll.u32 s9, $0xF;
	s10 =	sshll.u32 s10, $0xE;
	s11 =	ssub.s32 s11, s12  }
0xf: {  	s10 =	sor.u32 s10, s31;
	s12 =	simm.s32 $0x4;
	s11 =	smax.u32 s11, $0x1  }
.LBB2_1:
0x10: {  	s22 =	simm.s32 $0x0  }
.LBB2_2:
0x11: {  	s23 =	sshll.u32 s22, $0x7  }
0x12: {  	s23 =	sadd.s32 s10, s23  }
0x13: {  	s24 =	sshrl.u32 s23, $0x3  }
0x14: {  	s26 =	simm.s32 $0x0;
	s25 =	sadd.s32 s0, s24  }
0x15: {  	[tilespmem:s26], [sflag:$0x4] =	stream.linear.gather [hbm4b:s25+s26], $0x80, $0x38;
	[tilespmem:$0xC180] =	vst v63  }
0x16: {  	_ =	swait.ge [sflag:s12], $0x80  }
0x17: {  	[sflag:s12] =	ssyncset.done $0x0  }
0x18: {  	s31 =	sadd.s32 s1, s24;
	[sflag:s12] =	ssyncadd.s32 $0xFFFFFF80  }
0x19: {  	[tilespmem:s13], [sflag:$0x4] =	stream.linear.gather [hbm4b:s31+s26], $0x80, $0x38;
	[tilespmem:$0xC180] =	vst v63  }
0x1a: {  	_ =	swait.ge [sflag:s12], $0x80  }
0x1b: {  	[sflag:s12] =	ssyncset.done $0x0  }
0x1c: {  	s24 =	sadd.s32 s3, s24;
	[sflag:s12] =	ssyncadd.s32 $0xFFFFFF80  }
0x1d: {  	[tilespmem:s14], [sflag:$0x4] =	stream.linear.gather [hbm4b:s24+s26], $0x80, $0x38;
	[tilespmem:$0xC180] =	vst v63  }
0x1e: {  	_ =	swait.ge [sflag:s12], $0x80  }
0x1f: {  	[sflag:s12] =	ssyncset.done $0x0  }
0x20: {  	[sflag:s12] =	ssyncadd.s32 $0xFFFFFF80  }
0x21: {  	[tilespmem:s15], [sflag:$0x1] =	stream.indirect.gather [hbm4b:s4+s13], $0x80, s26, s13, $0xb8;
	[tilespmem:$0xC180] =	vst v63  }
0x22: {  	_ = 	snop  }
0x23: {  	[tilespmem:s16], [sflag:$0x2] =	stream.indirect.gather [hbm4b:s5+s13], $0x80, s13, s13, $0xb8;
	[tilespmem:$0xC180] =	vst v63  }
0x24: {  	_ = 	snop  }
0x25: {  	[tilespmem:s17], [sflag:$0x3] =	stream.indirect.gather [hbm4b:s6+s13], $0x80, s14, s13, $0xb8;
	[tilespmem:$0xC180] =	vst v63  }
0x26: {  	_ =	swait.ge [sflag:s18], $0x4000  }
0x27: {  	[sflag:s18] =	ssyncset.done $0x0  }
0x28: {  	[sflag:s18] =	ssyncadd.s32 $0xFFFFC000  }
0x29: {  	_ =	swait.ge [sflag:s19], $0x4000  }
0x2a: {  	[sflag:s19] =	ssyncset.done $0x0  }
0x2b: {  	[sflag:s19] =	ssyncadd.s32 $0xFFFFC000  }
0x2c: {  	_ =	swait.ge [sflag:s20], $0x4000  }
0x2d: {  	[sflag:s20] =	ssyncset.done $0x0  }
0x2e: {  	s24 =	simm.s32 $0x0;
	[sflag:s20] =	ssyncadd.s32 $0xFFFFC000  }
0x2f: {  	v5 =	vld [tilespmem:s24+$0x8180]  }
0x30: {  	v4 =	vld [tilespmem:s24+$0x8190]  }
0x31: {  	v3 =	vld [tilespmem:s24+$0x81A0]  }
0x32: {  	v2 =	vld [tilespmem:s24+$0x81B0]  }
0x33: {  	v1 =	vld [tilespmem:s24+$0x81C0]  }
0x34: {  	v0 =	vld [tilespmem:s24+$0x81D0]  }
0x35: {  	v12 =	vld [tilespmem:s24+$0x4180]  }
0x36: {  	v17 =	vld [tilespmem:s24+$0x4190]  }
0x37: {  	v11 =	vld [tilespmem:s24+$0x41A0]  }
0x38: {  	v10 =	vld [tilespmem:s24+$0x41B0]  }
0x39: {  	v9 =	vld [tilespmem:s24+$0x41C0]  }
0x3a: {  	v8 =	vld [tilespmem:s24+$0x41D0]  }
0x3b: {  	v7 =	vld [tilespmem:s24+$0x41E0]  }
0x3c: {  	v6 =	vld [tilespmem:s24+$0x41F0]  }
0x3d: {  	v18 =	vld [tilespmem:s24+$0x180]  }
0x3e: {  	v19 =	vld [tilespmem:s24+$0x190]  }
0x3f: {  	v16 =	vld [tilespmem:s24+$0x1A0]  }
0x40: {  	v15 =	vld [tilespmem:s24+$0x1B0]  }
0x41: {  	v14 =	vld [tilespmem:s24+$0x1C0]  }
0x42: {  	v13 =	vld [tilespmem:s24+$0x1D0];
	v18 =	vadd.f32 v12, v18  }
0x43: {  	s25 =	simm.s32 $0x200;
	v17 =	vadd.f32 v17, v19;
	v12 =	vld [tilespmem:s24+$0x1E0]  }
.LBB2_3:
0x44: {  	p0 =	sne.s32 s25, $0xFE00;
	v5 =	vadd.f32 v5, v18;
	v11 =	vadd.f32 v11, v16;
	v16 =	vld [tilespmem:s24+$0x1F0]  }
0x45: {  	v4 =	vadd.f32 v4, v17;
	v10 =	vadd.f32 v10, v15;
	v15 =	vld [tilespmem:s24+$0x81E0]  }
0x46: {  	s26 =	sshra.s32 s25, $0x2;
	[tilespmem:s24+$0x180] =	vst v5;
	v3 =	vadd.f32 v3, v11;
	v9 =	vadd.f32 v9, v14;
	v11 =	vld [tilespmem:s24+$0x81F0]  }
0x47: {  	v5 =	vld [tilespmem:s26+$0x8180];
	[tilespmem:s24+$0x190] =	vst v4;
	v2 =	vadd.f32 v2, v10;
	v8 =	vadd.f32 v8, v13  }
0x48: {  	v4 =	vld [tilespmem:s26+$0x8190];
	[tilespmem:s24+$0x1A0] =	vst v3;
	v1 =	vadd.f32 v1, v9;
	v7 =	vadd.f32 v7, v12  }
0x49: {  	v3 =	vld [tilespmem:s26+$0x81A0];
	[tilespmem:s24+$0x1B0] =	vst v2;
	v0 =	vadd.f32 v0, v8;
	v6 =	vadd.f32 v6, v16  }
0x4a: {  	v2 =	vld [tilespmem:s26+$0x81B0];
	[tilespmem:s24+$0x1C0] =	vst v1;
	v7 =	vadd.f32 v15, v7  }
0x4b: {  	v1 =	vld [tilespmem:s26+$0x81C0];
	[tilespmem:s24+$0x1D0] =	vst v0;
	v6 =	vadd.f32 v11, v6  }
0x4c: {  	v0 =	vld [tilespmem:s26+$0x81D0];
	[tilespmem:s24+$0x1E0] =	vst v7  }
0x4d: {  	v12 =	vld [tilespmem:s26+$0x4180];
	[tilespmem:s24+$0x1F0] =	vst v6;
	s24 =	smov.u32 s26  }
0x4e: {  	v17 =	vld [tilespmem:s24+$0x4190]  }
0x4f: {  	v11 =	vld [tilespmem:s24+$0x41A0]  }
0x50: {  	v10 =	vld [tilespmem:s24+$0x41B0]  }
0x51: {  	v9 =	vld [tilespmem:s24+$0x41C0]  }
0x52: {  	v8 =	vld [tilespmem:s24+$0x41D0]  }
0x53: {  	v7 =	vld [tilespmem:s24+$0x41E0]  }
0x54: {  	v6 =	vld [tilespmem:s24+$0x41F0]  }
0x55: {  	v13 =	vld [tilespmem:s24+$0x180]  }
0x56: {  	v19 =	vld [tilespmem:s24+$0x190]  }
.Ltmp0:
0x57: {  	v16 =	vld [tilespmem:s24+$0x1A0];
	(pc) =	sbr.rel @p0 .LBB2_3-.Ltmp0, $4  }
0x58: {  	v15 =	vld [tilespmem:s24+$0x1B0]  }
0x59: {  	v14 =	vld [tilespmem:s24+$0x1C0]  }
0x5a: {  	v18 =	vadd.f32 v12, v13;
	v13 =	vld [tilespmem:s24+$0x1D0]  }
0x5b: {  	s25 =	sadd.s32 $0x200, s25;
	v17 =	vadd.f32 v17, v19;
	v12 =	vld [tilespmem:s24+$0x1E0]  }
0x5c: {  	v5 =	vadd.f32 v5, v18;
	v55 =	vld [tilespmem:s24+$0x1F0];
	v11 =	vadd.f32 v11, v16  }
0x5d: {  	v56 =	vld [tilespmem:s24+$0x81E0];
	v4 =	vadd.f32 v4, v17;
	v10 =	vadd.f32 v10, v15  }
0x5e: {  	v58 =	vld [tilespmem:s24+$0x81F0];
	[tilespmem:s24+$0x180] =	vst v5;
	v3 =	vadd.f32 v3, v11;
	v57 =	vadd.f32 v9, v14  }
0x5f: {  	[tilespmem:s24+$0x190] =	vst v4;
	v2 =	vadd.f32 v2, v10;
	v59 =	vadd.f32 v8, v13  }
0x60: {  	[tilespmem:s24+$0x1A0] =	vst v3;
	v1 =	vadd.f32 v1, v57;
	v60 =	vadd.f32 v7, v12  }
0x61: {  	[tilespmem:s24+$0x1B0] =	vst v2;
	v0 =	vadd.f32 v0, v59;
	v61 =	vadd.f32 v6, v55  }
0x62: {  	[tilespmem:s24+$0x1C0] =	vst v1;
	v62 =	vadd.f32 v56, v60  }
0x63: {  	s22 =	sadd.s32 $0x1, s22;
	[tilespmem:s24+$0x1D0] =	vst v0;
	v63 =	vadd.f32 v58, v61  }
0x64: {  	s23 =	sshll.u32 s23, $0x4;
	p0 =	sne.s32 s22, $0x80;
	[tilespmem:s24+$0x1E0] =	vst v62  }
.Ltmp1:
0x65: {  	s23 =	sadd.s32 s7, s23;
	[tilespmem:s24+$0x1F0] =	vst v63;
	(pc) =	sbr.rel @p0 .LBB2_2-.Ltmp1, $4  }
0x66: {  	[hbm4b:s23+s8] =	stream.linear.scatter [tilespmem:s15], [sflag:$0x4], $0x4000, $0x38;
	[tilespmem:$0xC180] =	vst v63  }
0x67: {  	_ =	swait.ge [sflag:s12], $0x4000  }
0x68: {  	[sflag:s12] =	ssyncset.done $0x0  }
0x69: {  	[sflag:s12] =	ssyncadd.s32 $0xFFFFC000  }
0x6a: {  	s21 =	sadd.s32 $0x1, s21  }
0x6b: {  	p0 =	sne.s32 s21, s11  }
.Ltmp2:
0x6c: {  	_ = 	snop;
	(pc) =	sbr.rel @p0 .LBB2_1-.Ltmp2, $1  }
0x6d: {  	_ =	sdelay $0x3  }
0x6e: {  	_ =	sfence.sel $0x180000  }
0x6f: {  	[bflag:$0x0] =	sbarrier.arrive $0xFFFF  }
0x70: {  	p0 =	sne.s32 s9, $0x0;
	_ =	strace $0x90000047  }
0x71: {  	s0 =	sadd.s32 @!p0 $0x100000, s2;
	[bflag:$0x2] =	sbarrier.arrive $0xFFFF  }
0x72: {  	[sflag:s0] =	ssyncadd.tile.s32 @!p0 $0x1;
	_ =	shalt  }
.Lfunc_end2:
_tile_overlayer_lowered:
.L_overlay_start_2:
0x73: {  	(tag) =	ssettag $0x2  }
0x74: {  	s0 =	rddreg [dreg:$0x0];
	s2 =	stileid.u32  }
0x75: {  	s1 =	rddreg [dreg:$0x1];
	p0 =	sne.s32 s2, $0x0  }
0x76: {  	s3 =	rddreg [dreg:$0x2];
	[bflag:$0x3] =	sbarrier.arrive $0xFFFF;
	s2 =	simm.s32 @!p0 $0x1C04  }
0x77: {  	[timem:s3], [sflag:s2] =	dma.local @!p0 [hbm:s0], s1  }
0x78: {  	s0 =	simm.s32 @!p0 $0x4  }
0x79: {  	_ =	swait.ge @!p0 [sflag:s0], s1  }
0x7a: {  	s1 =	ssub.s32 @!p0 $0x0, s1;
	[sflag:s0] =	ssyncset.done @!p0 $0x0  }
0x7b: {  	[sflag:s0] =	ssyncadd.s32 @!p0 s1  }
0x7c: {  	[bflag:$0x3] =	sbarrier.arrive $0xFFFF  }
0x7d: {  	_ =	shalt  }

</sc_bundles>
